<compile_context>
chip_gen: v7x
topology: tpu7x:2x2x1
jax: 0.10.2.dev20260603
libtpu: 0.0.44.dev20260713+nightly
codegen_flags: <defaults>
</compile_context>

<pallas_src>
import jax
import jax.numpy as jnp
from jax import lax
from jax.experimental import pallas as pl
from jax.experimental.pallas import tpu as pltpu
from jax.experimental.pallas import tpu_sc as plsc

B = 16384
C = 64
N = 1000000

NC = 2
NS = 16
NW = NC * NS
B_PER_W = B // NW
DEPTH = 32


def _sc_gather(conf_hbm, idx_hbm, out_hbm, idx_v, row_v, sem):
    wid = lax.axis_index("s") * NC + lax.axis_index("c")
    base = wid * B_PER_W
    pltpu.sync_copy(idx_hbm.at[pl.ds(base, B_PER_W)], idx_v)

    def fire(j):
        idx = idx_v[pl.ds(j, 1)][0]
        pltpu.async_copy(conf_hbm.at[pl.ds(idx, 1)], row_v.at[pl.ds(j, 1)], sem)

    def wait(j):
        pltpu.make_async_copy(
            conf_hbm.at[pl.ds(0, 1)], row_v.at[pl.ds(j, 1)], sem
        ).wait()

    def body(j, _):
        fire(j)

        @pl.when(j >= DEPTH)
        def _():
            wait(j - DEPTH)

        return ()

    lax.fori_loop(0, B_PER_W, body, (), unroll=False)

    def drain(j, _):
        wait(j)
        return ()

    lax.fori_loop(B_PER_W - DEPTH, B_PER_W, drain, (), unroll=False)
    pltpu.sync_copy(row_v, out_hbm.at[pl.ds(base, B_PER_W)])


def _gather_rows(confidence, index):
    mesh = plsc.VectorSubcoreMesh(core_axis_name="c", subcore_axis_name="s")
    f = pl.kernel(
        _sc_gather,
        out_type=jax.ShapeDtypeStruct((B, C), jnp.float32),
        mesh=mesh,
        scratch_types=[
            pltpu.VMEM((B_PER_W,), jnp.int32),
            pltpu.VMEM((B_PER_W, C), jnp.float32),
            pltpu.SemaphoreType.DMA,
        ],
    )
    return f(confidence, index)


TC_BLK = 1024


def _tc_loss(x_ref, conf_ref, loss_ref, mean_ref):
    i = pl.program_id(0)
    x = x_ref[...]
    conf = conf_ref[...]
    m = jnp.max(x, axis=1, keepdims=True)
    lse = m + jnp.log(jnp.sum(jnp.exp(x - m), axis=1, keepdims=True))
    logsm = x - lse
    loss = -jnp.sum(logsm * conf, axis=1, keepdims=True)
    loss_ref[...] = loss

    @pl.when(i == 0)
    def _():
        mean_ref[...] = jnp.zeros_like(mean_ref)

    mean_ref[...] += jnp.sum(loss) * (1.0 / B)


def kernel(outputs, index, confidence):
    index = index.astype(jnp.int32)
    rows = _gather_rows(confidence, index)
    loss2d, mean2d = pl.pallas_call(
        _tc_loss,
        grid=(B // TC_BLK,),
        in_specs=[
            pl.BlockSpec((TC_BLK, C), lambda i: (i, 0)),
            pl.BlockSpec((TC_BLK, C), lambda i: (i, 0)),
        ],
        out_specs=[
            pl.BlockSpec((TC_BLK, 1), lambda i: (i, 0)),
            pl.BlockSpec((1, 1), lambda i: (0, 0)),
        ],
        out_shape=[
            jax.ShapeDtypeStruct((B, 1), jnp.float32),
            jax.ShapeDtypeStruct((1, 1), jnp.float32),
        ],
    )(outputs, rows)
    return (mean2d[0, 0], loss2d.reshape(B))

# --- scband reference (transcript-rebuilt; emitter-appended) ---
"""Pipeline reference for scband-partial-loss-44590350467566 (READ-ONLY COPY).

The authoritative reference and input builder live on the scoring server;
editing this copy changes nothing except your own understanding.
"""

import jax, jax.numpy as jnp
import numpy as np

N = 1000000  # dataset size (rows of confidence memory)
C = 64       # number of classes
B = 16384    # batch size


def setup_inputs(seed: int = 0) -> dict:
    key = jax.random.key(seed)
    k1, k2, k3, k4 = jax.random.split(key, 4)
    outputs = jax.random.normal(k1, (B, C), dtype=jnp.float32)
    index = jax.random.randint(k2, (B,), 0, N)
    # Build train_givenY: binary candidate-label matrix with at least one candidate per row
    givenY = jax.random.bernoulli(k3, 0.3, (N, C))
    true_labels = jax.random.randint(k4, (N,), 0, C)
    givenY = givenY.at[jnp.arange(N), true_labels].set(True)
    givenY = givenY.astype(jnp.float32)
    # Uniform targets: confidence = givenY / row_sum (as in __init__)
    confidence = givenY / givenY.sum(axis=1, keepdims=True)
    return {"outputs": outputs, "index": index, "confidence": confidence}


def reference(outputs, index, confidence):
    # forward with targets=None
    logsm_outputs = jax.nn.log_softmax(outputs, axis=1)
    conf_rows = jax.lax.stop_gradient(jnp.take(confidence, index, axis=0))  # gather + detach
    final_outputs = logsm_outputs * conf_rows
    loss_vec = -jnp.sum(final_outputs, axis=1)
    average_loss = jnp.mean(loss_vec)
    return (average_loss, loss_vec)

if __name__ == "__main__":
    import jax
    _d = setup_inputs()
    print(jax.jit(kernel)(*tuple(_d.values())))

</pallas_src>

<mosaic_0001>
#map = affine_map<(d0, d1) -> (0, 0)>
#map1 = affine_map<(d0, d1) -> (0)>
module attributes {stable_mosaic.version = 14 : i64} {
  func.func @_sc_gather(%arg0: i32, %arg1: i32, %arg2: memref<1000000x64xf32, #tpu.memory_space<hbm>>, %arg3: memref<16384xi32, #tpu.memory_space<hbm>>, %arg4: memref<16384x64xf32, #tpu.memory_space<hbm>>, %arg5: memref<512xi32, #tpu.memory_space<vmem>>, %arg6: memref<512x64xf32, #tpu.memory_space<vmem>>, %arg7: memref<!tpu.dma_semaphore, #tpu.memory_space<semaphore_mem>>) attributes {dimension_semantics = [#tpu.dimension_semantics<core_parallel>, #tpu.dimension_semantics<subcore_parallel>], iteration_bounds = array<i64: 2, 16>, scalar_prefetch = 0 : i64, scratch_operands = 3 : i64, tpu.core_type = #tpu.core_type<sc_vector_subcore>, window_params = [{transform_indices = #map}, {transform_indices = #map1}, {transform_indices = #map}]} {
    %mul3A = arith.constant 2 : i32
    %mul3A_0 = arith.muli %arg1, %mul3A : i32
    %add3A = arith.addi %mul3A_0, %arg0 : i32
    %mul3A_1 = arith.constant 512 : i32
    %mul3A_2 = arith.muli %add3A, %mul3A_1 : i32
    "tpu.region"() ({
      %run_scoped3A = tpu.sem_alloc : memref<!tpu.dma_semaphore, #tpu.memory_space<semaphore_mem>>
      %dma_start3A = tpu.memref_slice %arg3[%mul3A_2] : memref<16384xi32, #tpu.memory_space<hbm>> -> memref<512xi32, #tpu.memory_space<hbm>>
      %dma_start3A_12 = tpu.memref_slice %arg3[%mul3A_2] : memref<16384xi32, #tpu.memory_space<hbm>> -> memref<512xi32, #tpu.memory_space<hbm>>
      tpu.enqueue_dma source(%dma_start3A_12 : memref<512xi32, #tpu.memory_space<hbm>>) target(%arg5 : memref<512xi32, #tpu.memory_space<vmem>>) target_semaphore(%run_scoped3A : memref<!tpu.dma_semaphore, #tpu.memory_space<semaphore_mem>>)
      %dma_wait3A = tpu.memref_slice %arg3[%mul3A_2] : memref<16384xi32, #tpu.memory_space<hbm>> -> memref<512xi32, #tpu.memory_space<hbm>>
      %dma_wait3A_13 = tpu.memref_slice %arg3[%mul3A_2] : memref<16384xi32, #tpu.memory_space<hbm>> -> memref<512xi32, #tpu.memory_space<hbm>>
      tpu.wait_dma2 semaphore(%run_scoped3A : memref<!tpu.dma_semaphore, #tpu.memory_space<semaphore_mem>>) src(%dma_wait3A_13 : memref<512xi32, #tpu.memory_space<hbm>>) dst(%arg5 : memref<512xi32, #tpu.memory_space<vmem>>)
      tpu.yield
    }) : () -> ()
    %scan3A = arith.constant 0 : i32
    %scan3A_3 = arith.constant 512 : i32
    %scan3A_4 = arith.addi %scan3A, %scan3A_3 : i32
    %scan3A_5 = arith.constant 1 : i32
    scf.for %scan3A_12 = %scan3A to %scan3A_4 step %scan3A_5  : i32 {
      %get3A = arith.index_cast %scan3A_12 : i32 to index
      %get3A_13 = tpu.vector_load %arg5[%get3A] {strides = array<i32>} : memref<512xi32, #tpu.memory_space<vmem>>, vector<1xi32>,
      %get3A_14 = vector.shape_cast %get3A_13 : vector<1xi32> to vector<1xi32>
      %squeeze3A = vector.extract %get3A_14[0] : i32 from vector<1xi32>
      %dma_start3A = arith.constant 0 : i32
      %dma_start3A_15 = tpu.memref_slice %arg6[%scan3A_12, %dma_start3A] : memref<512x64xf32, #tpu.memory_space<vmem>> -> memref<1x64xf32, #tpu.memory_space<vmem>>
      %dma_start3A_16 = arith.constant 0 : i32
      %dma_start3A_17 = tpu.memref_slice %arg2[%squeeze3A, %dma_start3A_16] : memref<1000000x64xf32, #tpu.memory_space<hbm>> -> memref<1x64xf32, #tpu.memory_space<hbm>>
      %dma_start3A_18 = arith.constant 0 : i32
      %dma_start3A_19 = tpu.memref_slice %arg6[%scan3A_12, %dma_start3A_18] : memref<512x64xf32, #tpu.memory_space<vmem>> -> memref<1x64xf32, #tpu.memory_space<vmem>>
      %dma_start3A_20 = arith.constant 0 : i32
      %dma_start3A_21 = tpu.memref_slice %arg2[%squeeze3A, %dma_start3A_20] : memref<1000000x64xf32, #tpu.memory_space<hbm>> -> memref<1x64xf32, #tpu.memory_space<hbm>>
      tpu.enqueue_dma source(%dma_start3A_21 : memref<1x64xf32, #tpu.memory_space<hbm>>) target(%dma_start3A_19 : memref<1x64xf32, #tpu.memory_space<vmem>>) target_semaphore(%arg7 : memref<!tpu.dma_semaphore, #tpu.memory_space<semaphore_mem>>)
      %ge3A = arith.constant 32 : i32
      %ge3A_22 = arith.cmpi sge, %scan3A_12, %ge3A : i32
      %convert_element_type3A = arith.extui %ge3A_22 : i1 to i32
      %cond3A = arith.constant 0 : i32
      %cond3A_23 = arith.cmpi ne, %convert_element_type3A, %cond3A : i32
      scf.if %cond3A_23 {
        %sub3A = arith.constant 32 : i32
        %sub3A_24 = arith.subi %scan3A_12, %sub3A : i32
        %dma_wait3A = arith.constant 0 : i32
        %dma_wait3A_25 = tpu.memref_slice %arg6[%sub3A_24, %dma_wait3A] : memref<512x64xf32, #tpu.memory_space<vmem>> -> memref<1x64xf32, #tpu.memory_space<vmem>>
        %dma_wait3A_26 = arith.constant 0 : i32
        %dma_wait3A_27 = arith.constant 0 : i32
        %dma_wait3A_28 = tpu.memref_slice %arg2[%dma_wait3A_26, %dma_wait3A_27] : memref<1000000x64xf32, #tpu.memory_space<hbm>> -> memref<1x64xf32, #tpu.memory_space<hbm>>
        %dma_wait3A_29 = arith.constant 0 : i32
        %dma_wait3A_30 = tpu.memref_slice %arg6[%sub3A_24, %dma_wait3A_29] : memref<512x64xf32, #tpu.memory_space<vmem>> -> memref<1x64xf32, #tpu.memory_space<vmem>>
        %dma_wait3A_31 = arith.constant 0 : i32
        %dma_wait3A_32 = arith.constant 0 : i32
        %dma_wait3A_33 = tpu.memref_slice %arg2[%dma_wait3A_31, %dma_wait3A_32] : memref<1000000x64xf32, #tpu.memory_space<hbm>> -> memref<1x64xf32, #tpu.memory_space<hbm>>
        tpu.wait_dma2 semaphore(%arg7 : memref<!tpu.dma_semaphore, #tpu.memory_space<semaphore_mem>>) src(%dma_wait3A_33 : memref<1x64xf32, #tpu.memory_space<hbm>>) dst(%dma_wait3A_30 : memref<1x64xf32, #tpu.memory_space<vmem>>)
      } else {
      }
    }
    %scan3A_6 = arith.constant 512 : i32
    %scan3A_7 = arith.constant 480 : i32
    %scan3A_8 = arith.constant 32 : i32
    %scan3A_9 = arith.addi %scan3A_7, %scan3A_8 : i32
    %scan3A_10 = arith.constant 1 : i32
    scf.for %scan3A_12 = %scan3A_7 to %scan3A_9 step %scan3A_10  : i32 {
      %dma_wait3A = arith.constant 0 : i32
      %dma_wait3A_13 = tpu.memref_slice %arg6[%scan3A_12, %dma_wait3A] : memref<512x64xf32, #tpu.memory_space<vmem>> -> memref<1x64xf32, #tpu.memory_space<vmem>>
      %dma_wait3A_14 = arith.constant 0 : i32
      %dma_wait3A_15 = arith.constant 0 : i32
      %dma_wait3A_16 = tpu.memref_slice %arg2[%dma_wait3A_14, %dma_wait3A_15] : memref<1000000x64xf32, #tpu.memory_space<hbm>> -> memref<1x64xf32, #tpu.memory_space<hbm>>
      %dma_wait3A_17 = arith.constant 0 : i32
      %dma_wait3A_18 = tpu.memref_slice %arg6[%scan3A_12, %dma_wait3A_17] : memref<512x64xf32, #tpu.memory_space<vmem>> -> memref<1x64xf32, #tpu.memory_space<vmem>>
      %dma_wait3A_19 = arith.constant 0 : i32
      %dma_wait3A_20 = arith.constant 0 : i32
      %dma_wait3A_21 = tpu.memref_slice %arg2[%dma_wait3A_19, %dma_wait3A_20] : memref<1000000x64xf32, #tpu.memory_space<hbm>> -> memref<1x64xf32, #tpu.memory_space<hbm>>
      tpu.wait_dma2 semaphore(%arg7 : memref<!tpu.dma_semaphore, #tpu.memory_space<semaphore_mem>>) src(%dma_wait3A_21 : memref<1x64xf32, #tpu.memory_space<hbm>>) dst(%dma_wait3A_18 : memref<1x64xf32, #tpu.memory_space<vmem>>)
    }
    %scan3A_11 = arith.constant 32 : i32
    "tpu.region"() ({
      %run_scoped3A = tpu.sem_alloc : memref<!tpu.dma_semaphore, #tpu.memory_space<semaphore_mem>>
      %dma_start3A = arith.constant 0 : i32
      %dma_start3A_12 = tpu.memref_slice %arg4[%mul3A_2, %dma_start3A] : memref<16384x64xf32, #tpu.memory_space<hbm>> -> memref<512x64xf32, #tpu.memory_space<hbm>>
      %dma_start3A_13 = arith.constant 0 : i32
      %dma_start3A_14 = tpu.memref_slice %arg4[%mul3A_2, %dma_start3A_13] : memref<16384x64xf32, #tpu.memory_space<hbm>> -> memref<512x64xf32, #tpu.memory_space<hbm>>
      tpu.enqueue_dma source(%arg6 : memref<512x64xf32, #tpu.memory_space<vmem>>) target(%dma_start3A_14 : memref<512x64xf32, #tpu.memory_space<hbm>>) target_semaphore(%run_scoped3A : memref<!tpu.dma_semaphore, #tpu.memory_space<semaphore_mem>>)
      %dma_wait3A = arith.constant 0 : i32
      %dma_wait3A_15 = tpu.memref_slice %arg4[%mul3A_2, %dma_wait3A] : memref<16384x64xf32, #tpu.memory_space<hbm>> -> memref<512x64xf32, #tpu.memory_space<hbm>>
      %dma_wait3A_16 = arith.constant 0 : i32
      %dma_wait3A_17 = tpu.memref_slice %arg4[%mul3A_2, %dma_wait3A_16] : memref<16384x64xf32, #tpu.memory_space<hbm>> -> memref<512x64xf32, #tpu.memory_space<hbm>>
      tpu.wait_dma2 semaphore(%run_scoped3A : memref<!tpu.dma_semaphore, #tpu.memory_space<semaphore_mem>>) src(%arg6 : memref<512x64xf32, #tpu.memory_space<vmem>>) dst(%dma_wait3A_17 : memref<512x64xf32, #tpu.memory_space<hbm>>)
      tpu.yield
    }) : () -> ()
    return
  }
}

module attributes {stable_mosaic.version = 14 : i64} {
  func.func @_tc_loss(%arg0: i32, %arg1: memref<1024x64xf32, #tpu.memory_space<vmem>>, %arg2: memref<1024x64xf32, #tpu.memory_space<vmem>>, %arg3: memref<1024x1xf32, #tpu.memory_space<vmem>>, %arg4: memref<1x1xf32, #tpu.memory_space<vmem>>) attributes {dimension_semantics = [#tpu.dimension_semantics<arbitrary>], iteration_bounds = array<i64: 16>, scalar_prefetch = 0 : i64, scratch_operands = 0 : i64, tpu.core_type = #tpu.core_type<tc>, window_params = [{transform_indices = @transform_0, window_bounds = array<i64: 1024, 64>}, {transform_indices = @transform_1, window_bounds = array<i64: 1024, 64>}, {transform_indices = @transform_2, window_bounds = array<i64: 1024, 1>}, {pipeline_mode = #tpu.pipeline_mode<synchronous>, transform_indices = @transform_3, window_bounds = array<i64: 1, 1>}]} {
    %get3A = arith.constant 0 : index
    %get3A_0 = arith.constant 0 : index
    %get3A_1 = vector.load %arg1[%get3A, %get3A_0] : memref<1024x64xf32, #tpu.memory_space<vmem>>, vector<1024x64xf32>
    %get3A_2 = arith.constant 0 : index
    %get3A_3 = arith.constant 0 : index
    %get3A_4 = vector.load %arg2[%get3A_2, %get3A_3] : memref<1024x64xf32, #tpu.memory_space<vmem>>, vector<1024x64xf32>
    %reduce_max3A = arith.constant dense<0xFF800000> : vector<1024xf32>
    %reduce_max3A_5 = vector.multi_reduction <maximumf>, %get3A_1, %reduce_max3A [1] : vector<1024x64xf32> to vector<1024xf32>
    %broadcast_in_dim3A = vector.shape_cast %reduce_max3A_5 : vector<1024xf32> to vector<1024x1xf32>
    %sub3A = vector.broadcast %broadcast_in_dim3A : vector<1024x1xf32> to vector<1024x64xf32>
    %sub3A_6 = arith.subf %get3A_1, %sub3A : vector<1024x64xf32>
    %exp3A = math.exp %sub3A_6 : vector<1024x64xf32>
    %reduce_sum3A = arith.constant dense<0.000000e+00> : vector<1024xf32>
    %reduce_sum3A_7 = vector.multi_reduction <add>, %exp3A, %reduce_sum3A [1] : vector<1024x64xf32> to vector<1024xf32>
    %broadcast_in_dim3A_8 = vector.shape_cast %reduce_sum3A_7 : vector<1024xf32> to vector<1024x1xf32>
    %log3A = math.log %broadcast_in_dim3A_8 : vector<1024x1xf32>
    %add3A = arith.addf %broadcast_in_dim3A, %log3A : vector<1024x1xf32>
    %sub3A_9 = vector.broadcast %add3A : vector<1024x1xf32> to vector<1024x64xf32>
    %sub3A_10 = arith.subf %get3A_1, %sub3A_9 : vector<1024x64xf32>
    %mul3A = arith.mulf %sub3A_10, %get3A_4 : vector<1024x64xf32>
    %reduce_sum3A_11 = arith.constant dense<0.000000e+00> : vector<1024xf32>
    %reduce_sum3A_12 = vector.multi_reduction <add>, %mul3A, %reduce_sum3A_11 [1] : vector<1024x64xf32> to vector<1024xf32>
    %broadcast_in_dim3A_13 = vector.shape_cast %reduce_sum3A_12 : vector<1024xf32> to vector<1024x1xf32>
    %neg3A = arith.constant 0.000000e+00 : f32
    %neg3A_14 = vector.broadcast %neg3A : f32 to vector<1024x1xf32>
    %neg3A_15 = arith.subf %neg3A_14, %broadcast_in_dim3A_13 : vector<1024x1xf32>
    %swap3A = arith.constant 0 : index
    %swap3A_16 = arith.constant 0 : index
    %swap3A_17 = vector.load %arg3[%swap3A, %swap3A_16] : memref<1024x1xf32, #tpu.memory_space<vmem>>, vector<1024x1xf32>
    tpu.vector_store %arg3[%swap3A, %swap3A_16], %neg3A_15 {strides = array<i32>} : memref<1024x1xf32, #tpu.memory_space<vmem>>, vector<1024x1xf32>,
    %eq3A = arith.constant 0 : i32
    %eq3A_18 = arith.cmpi eq, %arg0, %eq3A : i32
    %convert_element_type3A = arith.extui %eq3A_18 : i1 to i32
    %cond3A = arith.constant 0 : i32
    %cond3A_19 = arith.cmpi ne, %convert_element_type3A, %cond3A : i32
    scf.if %cond3A_19 {
      %broadcast_in_dim3A_35 = arith.constant 0.000000e+00 : f32
      %broadcast_in_dim3A_36 = vector.broadcast %broadcast_in_dim3A_35 : f32 to vector<1x1xf32>
      %swap3A_37 = arith.constant 0 : index
      %swap3A_38 = arith.constant 0 : index
      %swap3A_39 = vector.load %arg4[%swap3A_37, %swap3A_38] : memref<1x1xf32, #tpu.memory_space<vmem>>, vector<1x1xf32>
      tpu.vector_store %arg4[%swap3A_37, %swap3A_38], %broadcast_in_dim3A_36 {strides = array<i32>} : memref<1x1xf32, #tpu.memory_space<vmem>>, vector<1x1xf32>,
    } else {
    }
    %get3A_20 = arith.constant 0 : index
    %get3A_21 = arith.constant 0 : index
    %get3A_22 = vector.load %arg4[%get3A_20, %get3A_21] : memref<1x1xf32, #tpu.memory_space<vmem>>, vector<1x1xf32>
    %reduce_sum3A_23 = vector.shape_cast %neg3A_15 : vector<1024x1xf32> to vector<1x1024x1xf32>
    %reduce_sum3A_24 = arith.constant dense<0.000000e+00> : vector<1xf32>
    %reduce_sum3A_25 = vector.multi_reduction <add>, %reduce_sum3A_23, %reduce_sum3A_24 [1, 2] : vector<1x1024x1xf32> to vector<1xf32>
    %reduce_sum3A_26 = vector.shape_cast %reduce_sum3A_25 : vector<1xf32> to vector<1x1x1xf32>
    %reduce_sum3A_27 = vector.extract %reduce_sum3A_26[0, 0, 0] : f32 from vector<1x1x1xf32>
    %mul3A_28 = arith.constant 6.10351563E-5 : f32
    %mul3A_29 = arith.mulf %reduce_sum3A_27, %mul3A_28 : f32
    %add3A_30 = vector.broadcast %mul3A_29 : f32 to vector<1x1xf32>
    %add3A_31 = arith.addf %get3A_22, %add3A_30 : vector<1x1xf32>
    %swap3A_32 = arith.constant 0 : index
    %swap3A_33 = arith.constant 0 : index
    %swap3A_34 = vector.load %arg4[%swap3A_32, %swap3A_33] : memref<1x1xf32, #tpu.memory_space<vmem>>, vector<1x1xf32>
    tpu.vector_store %arg4[%swap3A_32, %swap3A_33], %add3A_31 {strides = array<i32>} : memref<1x1xf32, #tpu.memory_space<vmem>>, vector<1x1xf32>,
    return
  }
  func.func @transform_0(%arg0: i32) -> (i32, i32) {
    %c0_i32 = arith.constant 0 : i32
    %c0_i32_0 = arith.constant 0 : i32
    return %arg0, %c0_i32 : i32, i32
  }
  func.func @transform_1(%arg0: i32) -> (i32, i32) {
    %c0_i32 = arith.constant 0 : i32
    %c0_i32_0 = arith.constant 0 : i32
    return %arg0, %c0_i32 : i32, i32
  }
  func.func @transform_2(%arg0: i32) -> (i32, i32) {
    %c0_i32 = arith.constant 0 : i32
    %c0_i32_0 = arith.constant 0 : i32
    return %arg0, %c0_i32 : i32, i32
  }
  func.func @transform_3(%arg0: i32) -> (i32, i32) {
    %c0_i32 = arith.constant 0 : i32
    %c0_i32_0 = arith.constant 0 : i32
    %c0_i32_1 = arith.constant 0 : i32
    return %c0_i32, %c0_i32_0 : i32, i32
  }
}

</mosaic_0001>

<sc_bundles>
// kernel: kernel.4.cloned.1.call-start
scs
__scs_entry_jumppad:
0x0: {  	(pc) =	sbr.rel $0x88, $3  }
0x1: {  	(tag) =	ssettag $0x0;
	lr =	simm.s32 $0x1  }
0x2: {  	[smem:$0x3F9E] =	sst lr;
	_ =	strace $0xD0000000  }
0x3: {  	_ = 	snop  }
0x4: {  	_ = 	snop  }
0x5: {  	_ = 	snop  }
0x6: {  	_ = 	snop  }
0x7: {  	_ = 	snop  }
__scs_overlays_trampoline_lowered:
0x8: {  	[smem:$0x3FAD] =	sst s0  }
0x9: {  	[smem:$0x3FAE] =	sst s1  }
0xa: {  	[smem:$0x3FAF] =	sst s2  }
0xb: {  	[smem:$0x3FB0] =	sst s3  }
0xc: {  	[smem:$0x3FB1] =	sst s4  }
0xd: {  	[smem:$0x3FB2] =	sst s5  }
0xe: {  	[smem:$0x3FB3] =	sst s6  }
0xf: {  	[smem:$0x3FB4] =	sst s7  }
0x10: {  	[smem:$0x3FB5] =	sst s8  }
0x11: {  	[smem:$0x3FB6] =	sst s9;
	s0 =	simm.s32 @!p0 $0x0  }
0x12: {  	s1 =	sld [smem:$0x3F9C];
	s0 =	simm.s32 @p0 $0x1  }
0x13: {  	[smem:$0x3FB7] =	sst s0;
	s0 =	simm.s32 @!p1 $0x0  }
0x14: {  	s2 =	sld [smem:$0x3F9B];
	s0 =	simm.s32 @p1 $0x1  }
0x15: {  	[smem:$0x3FB8] =	sst s0;
	s0 =	simm.s32 @!p2 $0x0  }
0x16: {  	s3 =	sld [smem:$0x3FDB];
	s0 =	simm.s32 @p2 $0x1  }
0x17: {  	s4 =	simm.s32 $0x1BF5;
	[smem:$0x3FBA] =	sst s0  }
0x18: {  	s0 =	sld [smem:$0x3F9D];
	_ =	swait.ge [sflag:s4], $0x0  }
0x19: {  	s7 =	sld [smem:$0x3F9E]  }
0x1a: {  	s8 =	sadd.s32 $0xFFFFE003, lr  }
0x1b: {  	s9 =	sadd.s32 $0xFFFFFEF7, lr;
	s5 =	simm.s32 $0xFFFFFFFF;
	p2 =	slt.u32 s8, $0xFFFFF086  }
0x1c: {  	p1 =	slt.u32 s9, $0xF7A;
	s5 =	simm.s32 @!p2 $0x0  }
0x1d: {  	s5 =	simm.s32 @p1 $0x1;
	p0 =	seq.s32 s7, s2  }
0x1e: {  	s7 =	smul.u32 @!p0 $0xF7A, s2;
	p2 =	seq.s32 @!p0 s5, $0x0  }
0x1f: {  	s9 =	smul.u32 $0xF7A, s1;
	s8 =	simm.s32 @!p0 $0x1BF5;
	p2 =	por !p2, p0  }
0x20: {  	[sflag:s8] =	ssyncset.s32 @!p0 $0xFFFFF086;
	s6 =	sadd.s32 @!p0 s3, s7;
	s7 =	simm.s32 @!p0 $0x108  }
0x21: {  	s3 =	sadd.s32 s3, s9;
	s6 =	sadd.s32 @!p0 $0x88, s6;
	s7 =	simm.s32 @p2 $0x1082  }
0x22: {  	[simem:s7], [sflag:s8] =	dma.local @!p0 [hbm:s6], $0xF7A  }
0x23: {  	s9 =	sor.u32 $0xD0000000, s2;
	s6 =	simm.s32 $0x108;
	_ =	swait.ge @!p0 [sflag:s8], $0x0  }
0x24: {  	s3 =	sadd.s32 $0x88, s3;
	s6 =	simm.s32 @!p1 $0x1082;
	[sflag:s4] =	ssyncset.s32 $0xFFFFF086  }
0x25: {  	[simem:s6], [sflag:s4] =	dma.local [hbm:s3], $0xF7A  }
0x26: {  	[smem:$0x3F9E] =	sst s1;
	(tag) =	ssettag s2;
	_ =	strace s9  }
0x27: {  	s1 =	sld [smem:$0x3FAE]  }
0x28: {  	s2 =	sld [smem:$0x3FAF]  }
0x29: {  	s4 =	sld [smem:$0x3FB1]  }
0x2a: {  	p0 =	seq.s32 s5, $0x0;
	s5 =	sld [smem:$0x3FB2]  }
0x2b: {  	s6 =	sld [smem:$0x3FB3]  }
0x2c: {  	s7 =	sld [smem:$0x3FB4]  }
0x2d: {  	s3 =	simm.s32 $0x108;
	s8 =	sld [smem:$0x3FB5]  }
0x2e: {  	s3 =	simm.s32 @!p0 $0x1082;
	s9 =	sld [smem:$0x3FB6]  }
0x2f: {  	lr =	sadd.s32 s0, s3;
	s0 =	sld [smem:$0x3FAD]  }
0x30: {  	s3 =	sld [smem:$0x3FB0]  }
0x31: {  	[smem:$0x3FB9] =	sst s10  }
0x32: {  	s10 =	sld [smem:$0x3FB7];
	_ =	sdelay $0x3  }
0x33: {  	p0 =	seq.s32 s10, $0x1;
	s10 =	sld [smem:$0x3FB9];
	_ =	sdelay $0x3  }
0x34: {  	[smem:$0x3FB9] =	sst s10  }
0x35: {  	s10 =	sld [smem:$0x3FB8];
	_ =	sdelay $0x3  }
0x36: {  	p1 =	seq.s32 s10, $0x1;
	s10 =	sld [smem:$0x3FB9];
	_ =	sdelay $0x3  }
0x37: {  	[smem:$0x3FB9] =	sst s10  }
0x38: {  	s10 =	sld [smem:$0x3FBA]  }
0x39: {  	_ = 	snop;
	(pc) =	sbr.ind lr, $3  }
0x3a: {  	_ = 	snop  }
0x3b: {  	_ = 	snop  }
0x3c: {  	p2 =	seq.s32 s10, $0x1;
	s10 =	sld [smem:$0x3FB9]  }
0x3d: {  	_ =	shalt  }
0x3e: {  	_ =	shalt  }
0x3f: {  	_ =	shalt  }
0x40: {  	_ =	shalt  }
0x41: {  	_ =	shalt  }
0x42: {  	_ =	shalt  }
0x43: {  	_ =	shalt  }
0x44: {  	_ =	shalt  }
0x45: {  	_ =	shalt  }
0x46: {  	_ =	shalt  }
0x47: {  	_ =	shalt  }
0x48: {  	_ =	shalt  }
0x49: {  	_ =	shalt  }
0x4a: {  	_ =	shalt  }
0x4b: {  	_ =	shalt  }
0x4c: {  	_ =	shalt  }
0x4d: {  	_ =	shalt  }
0x4e: {  	_ =	shalt  }
0x4f: {  	_ =	shalt  }
0x50: {  	_ =	shalt  }
0x51: {  	_ =	shalt  }
0x52: {  	_ =	shalt  }
0x53: {  	_ =	shalt  }
0x54: {  	_ =	shalt  }
0x55: {  	_ =	shalt  }
0x56: {  	_ =	shalt  }
0x57: {  	_ =	shalt  }
0x58: {  	_ =	shalt  }
0x59: {  	_ =	shalt  }
0x5a: {  	_ =	shalt  }
0x5b: {  	_ =	shalt  }
0x5c: {  	_ =	shalt  }
0x5d: {  	_ =	shalt  }
0x5e: {  	_ =	shalt  }
0x5f: {  	_ =	shalt  }
0x60: {  	_ =	shalt  }
0x61: {  	_ =	shalt  }
0x62: {  	_ =	shalt  }
0x63: {  	_ =	shalt  }
0x64: {  	_ =	shalt  }
0x65: {  	_ =	shalt  }
0x66: {  	_ =	shalt  }
0x67: {  	_ =	shalt  }
0x68: {  	_ =	shalt  }
0x69: {  	_ =	shalt  }
0x6a: {  	_ =	shalt  }
0x6b: {  	_ =	shalt  }
0x6c: {  	_ =	shalt  }
0x6d: {  	_ =	shalt  }
0x6e: {  	_ =	shalt  }
0x6f: {  	_ =	shalt  }
0x70: {  	_ =	shalt  }
0x71: {  	_ =	shalt  }
0x72: {  	_ =	shalt  }
0x73: {  	_ =	shalt  }
0x74: {  	_ =	shalt  }
0x75: {  	_ =	shalt  }
0x76: {  	_ =	shalt  }
0x77: {  	_ =	shalt  }
0x78: {  	_ =	shalt  }
0x79: {  	_ =	shalt  }
0x7a: {  	_ =	shalt  }
0x7b: {  	_ =	shalt  }
0x7c: {  	_ =	shalt  }
0x7d: {  	_ =	shalt  }
0x7e: {  	_ =	shalt  }
0x7f: {  	_ =	shalt  }
0x80: {  	_ =	shalt  }
0x81: {  	_ =	shalt  }
0x82: {  	_ =	shalt  }
0x83: {  	_ =	shalt  }
0x84: {  	_ =	shalt  }
0x85: {  	_ =	shalt  }
0x86: {  	_ =	shalt  }
0x87: {  	_ =	shalt  }
.Lfunc_end0:
.L_simem_size_0:
called_computation_lowered:
.L_overlay_start_0:
0x88: {  	s2 =	sld [smem:$0x3FD9]  }
0x89: {  	s3 =	sld [smem:$0x3FFE];
	_ =	sdelay $0x1  }
0x8a: {  	s1 =	srdreg.scid  }
0x8b: {  	s0 =	sand.u32 $0x1, s1  }
0x8c: {  	s17 =	sshll.u32 s0, $0xA;
	s2 =	sadd.s32 s3, s2  }
0x8d: {  	s2 =	sadd.s32 s2, s17  }
0x8e: {  	[smem:$0x3FC5] =	sst s2  }
0x8f: {  	_ = 	snop  }
0x90: {  	s2 =	sld [smem:$0x3FC8];
	(tm) =	ssettm $0x1  }
0x91: {  	s18 =	sld [smem:$0x3FFB];
	_ =	sdelay $0x3  }
0x92: {  	_ =	strace s18  }
0x93: {  	s3 =	sld [smem:$0x3FFC];
	_ =	sdelay $0x3  }
0x94: {  	_ =	strace s3  }
0x95: {  	s3 =	sld [smem:$0x3FFD];
	_ =	sdelay $0x3  }
0x96: {  	_ =	strace s3  }
0x97: {  	_ =	strace $0x8FFFFFFF  }
0x98: {  	s19 =	sld [smem:$0x3FDB];
	_ =	sdelay $0x1  }
0x99: {  	s4 =	simm.s32 $_scs_section_size  }
0x9a: {  	s5 =	simm.s32 $_size__tile_overlayer_lowered;
	s6 =	simm.s32 $_tile_overlayer_lowered  }
0x9b: {  	s22 =	simm.s32 $0x1BFF;
	s21 =	sshll.u32 s6, $0x1;
	s3 =	sadd.s32 s4, s19  }
0x9c: {  	s7 =	simm.s32 $0x0;
	s20 =	sshll.u32 s5, $0x1;
	s5 =	sadd.s32 s21, s3  }
0x9d: {  	[timem:s7], [sflag:s22] =	dma.local [hbm:s5], s20  }
0x9e: {  	_ =	swait.ge [sflag:s22], s20  }
0x9f: {  	s4 =	ssub.s32 $0x0, s20;
	[sflag:s22] =	ssyncset.done $0x0  }
0xa0: {  	[sflag:s22] =	ssyncadd.s32 s4;
	_ =	sdelay $0x1  }
0xa1: {  	s23 =	simm.s32 $0x1B8B  }
0xa2: {  	_ =	swait.ge [sflag:s23], $0x1  }
0xa3: {  	[sflag:s23] =	ssyncset.done $0x0  }
0xa4: {  	s25 =	simm.s32 $0x1B8E;
	s24 =	sld [smem:$0x3FFE];
	[sflag:s23] =	ssyncadd.s32 $0xFFFFFFFF  }
0xa5: {  	s26 =	simm.s32 $execute0_lowered;
	[smem:$0x3FD2] =	sst s25  }
0xa6: {  	s5 =	sshll.u32 s26, $0x1;
	_ =	strace $0x80000046;
	[dreg:$0x1] =	wrdreg $0xFFFFFFFF  }
0xa7: {  	s28 =	simm.s32 $_size_execute0_lowered;
	s3 =	sadd.s32 s3, s5;
	[dreg:$0x0] =	wrdreg $0x0  }
0xa8: {  	s5 =	sshll.u32 s28, $0x1;
	[dreg:$0x2] =	wrdreg s3  }
0xa9: {  	[dreg:$0x3] =	wrdreg s5  }
0xaa: {  	[dreg:$0x4] =	wrdreg $0xC0  }
0xab: {  	_ =	task [dreg:s7], $0x5FFFF  }
0xac: {  	[dreg:$0x1] =	wrdreg $0xFFFFFFFF  }
0xad: {  	[dreg:$0x0] =	wrdreg $0x60  }
0xae: {  	[dreg:$0x2] =	wrdreg s24  }
0xaf: {  	[dreg:$0x3] =	wrdreg s2  }
0xb0: {  	[dreg:$0x4] =	wrdreg $0x9  }
0xb1: {  	_ =	task.clear_ibuf [dreg:s7], $0x5FFFF;
	_ =	strace $0x90000046  }
0xb2: {  	s29 =	simm.s32 $0x9;
	_ =	strace $0x80000048  }
0xb3: {  	_ =	swait.ge [sflag:s29], $0x1  }
0xb4: {  	[sflag:s29] =	ssyncadd.s32 $0xFFFFFFFF  }
0xb5: {  	_ =	strace $0x90000048  }
0xb6: {  	_ =	sfence  }
0xb7: {  	s30 =	sld [smem:$0x0];
	_ =	sdelay $0x2  }
0xb8: {  	s31 =	sshll.u32 s1, $0xD;
	s1 =	sshrl.u32 s1, $0x2  }
0xb9: {  	s3 =	sand.u32 $0x4000, s31;
	s1 =	sadd.s32 s1, s30  }
0xba: {  	s0 =	sor.u32 s3, s0;
	s1 =	sshll.u32 s1, $0x11  }
0xbb: {  	s0 =	sor.u32 s1, s0  }
0xbc: {  	s0 =	sadd.s32 $0x8F2B, s0  }
0xbd: {  	[sflag:s0] =	ssyncadd.remote.s32 $0x1  }
0xbe: {  	_ =	sfence.sel $0xFFFF  }
0xbf: {  	[dreg:$0x0] =	wrdreg $0xFFFFFFFF;
	(pc) =	sbr.abs _section_cstart, $3  }
0xc0: {  	[dreg:$0x1] =	wrdreg $0xFFFFFFFF  }
0xc1: {  	_ =	task.clear_ibuf [dreg:s7], $0x2FFFF;
	_ =	strace $0x9FFFFFFF  }
0xc2: {  	(tm) =	ssettm $0x7FFFFFFF  }
0xc3: {  	_ =	shalt  }
tec
execute0_lowered:
.L_overlay_start_1:
0x0: {  	(tag) =	ssettag $0x1  }
0x1: {  	s4 =	rddreg [dreg:$0x0]  }
0x2: {  	s5 =	rddreg [dreg:$0x1]  }
0x3: {  	s0 =	rddreg [dreg:$0x2];
	s2 =	simm.s32 $0x0;
	s3 =	srdreg.scid  }
0x4: {  	s1 =	stileid.u32;
	s10 =	simm.s32 $0x0;
	s6 =	sand.u32 $0x1, s3  }
0x5: {  	[smem:$0x7FF] =	sst s2;
	s7 =	sshll.u32 s1, $0xA;
	s8 =	sshll.u32 s6, $0x9  }
0x6: {  	s3 =	sadd.s32 $0x400, s4;
	s6 =	ssub.s32 $0x2, s6;
	s7 =	sor.u32 s8, s7  }
0x7: {  	_ =	strace $0x80000047;
	s9 =	sshrl.u32 s6, $0x1;
	s8 =	sshll.u32 s7, $0x4  }
0x8: {  	s7 =	sshrl.u32 s7, $0x3;
	s6 =	ssub.s32 s6, s9;
	s9 =	simm.s32 $0x200  }
0x9: {  	s8 =	sadd.s32 s8, s4;
	s4 =	sadd.s32 s5, s7;
	s6 =	smax.u32 s6, $0x1  }
0xa: {  	s7 =	simm.s32 $0x2;
	s5 =	sadd.s32 $0xF42800, s8;
	s8 =	simm.s32 $0x1  }
.LBB2_1:
0xb: {  	[tilespmem:s2], [sflag:$0x2] =	stream.linear.gather [hbm4b:s4+s2], $0x200, $0x38;
	[tilespmem:$0x10200] =	vst v63  }
0xc: {  	_ =	swait.ge [sflag:s7], $0x200  }
0xd: {  	[sflag:s7] =	ssyncset.done $0x0  }
0xe: {  	[sflag:s7] =	ssyncadd.s32 $0xFFFFFE00  }
0xf: {  	v0 =	vld.msk [tilespmem:s2+$0x0], $0x1;
	_ =	sdelay $0x4  }
0x10: {  	(v2sf) =	vpush v0, $0x0;
	_ =	sdelay $0xe  }
0x11: {  	s11 =	spop (v2sf)  }
0x12: {  	s11 =	sshll.u32 s11, $0x4  }
0x13: {  	p1 =	por $0x1, $0x1;
	s11 =	sand.u32 $0x1FFFFFF0, s11  }
0x14: {  	s12 =	simm.s32 $0x200;
	s14 =	simm.s32 @!p1 $0x1;
	s11 =	sadd.s32 s3, s11  }
0x15: {  	[tilespmem:s9], [sflag:$0x1] =	stream.linear.gather [hbm4b:s11+s2], $0x80, $0x38;
	[tilespmem:$0x10200] =	vst v63  }
0x16: {  	s13 =	simm.s32 $0x1;
	s11 =	simm.s32 $0x1;
	_ =	swait.ge @!p1 [sflag:s14], $0x80  }
.LBB2_2:
0x17: {  	[sflag:s14] =	ssyncset.done @!p1 $0x0  }
0x18: {  	s12 =	sadd.s32 $0x80, s12;
	s15 =	smov.u32 s11;
	s11 =	sadd.s32 $0x1, s11  }
0x19: {  	p0 =	sne.s32 s11, $0x200;
	[sflag:s14] =	ssyncadd.s32 @!p1 $0xFFFFFF80  }
0x1a: {  	v0 =	vld.msk [tilespmem:s13+$0x0], $0x1;
	_ =	sdelay $0x4  }
0x1b: {  	(v2sf) =	vpush v0, $0x0;
	_ =	sdelay $0xe  }
0x1c: {  	s14 =	spop (v2sf)  }
.Ltmp0:
0x1d: {  	s14 =	sshll.u32 s14, $0x4;
	(pc) =	sbr.rel @p0 .LBB2_2-.Ltmp0, $4  }
0x1e: {  	p1 =	slt.u32 s15, $0x20;
	s14 =	sand.u32 $0x1FFFFFF0, s14  }
0x1f: {  	s15 =	sadd.s32 s3, s14;
	s14 =	simm.s32 @!p1 $0x1  }
0x20: {  	[tilespmem:s12], [sflag:$0x1] =	stream.linear.gather [hbm4b:s15+s2], $0x80, $0x38;
	[tilespmem:$0x10200] =	vst v63  }
0x21: {  	s13 =	sadd.s32 $0x1, s13;
	_ =	swait.ge @!p1 [sflag:s14], $0x80  }
0x22: {  	[sflag:s14] =	ssyncset.done @!p1 $0x0  }
0x23: {  	[sflag:s14] =	ssyncadd.s32 @!p1 $0xFFFFFF80  }
0x24: {  	_ =	swait.ge [sflag:s8], $0x80  }
0x25: {  	[sflag:s8] =	ssyncset.done $0x0  }
0x26: {  	[sflag:s8] =	ssyncadd.s32 $0xFFFFFF80  }
0x27: {  	_ =	swait.ge [sflag:s8], $0x80  }
0x28: {  	[sflag:s8] =	ssyncset.done $0x0  }
0x29: {  	[sflag:s8] =	ssyncadd.s32 $0xFFFFFF80  }
0x2a: {  	_ =	swait.ge [sflag:s8], $0x80  }
0x2b: {  	[sflag:s8] =	ssyncset.done $0x0  }
0x2c: {  	[sflag:s8] =	ssyncadd.s32 $0xFFFFFF80  }
0x2d: {  	_ =	swait.ge [sflag:s8], $0x80  }
0x2e: {  	[sflag:s8] =	ssyncset.done $0x0  }
0x2f: {  	[sflag:s8] =	ssyncadd.s32 $0xFFFFFF80  }
0x30: {  	_ =	swait.ge [sflag:s8], $0x80  }
0x31: {  	[sflag:s8] =	ssyncset.done $0x0  }
0x32: {  	[sflag:s8] =	ssyncadd.s32 $0xFFFFFF80  }
0x33: {  	_ =	swait.ge [sflag:s8], $0x80  }
0x34: {  	[sflag:s8] =	ssyncset.done $0x0  }
0x35: {  	[sflag:s8] =	ssyncadd.s32 $0xFFFFFF80  }
0x36: {  	_ =	swait.ge [sflag:s8], $0x80  }
0x37: {  	[sflag:s8] =	ssyncset.done $0x0  }
0x38: {  	[sflag:s8] =	ssyncadd.s32 $0xFFFFFF80  }
0x39: {  	_ =	swait.ge [sflag:s8], $0x80  }
0x3a: {  	[sflag:s8] =	ssyncset.done $0x0  }
0x3b: {  	[sflag:s8] =	ssyncadd.s32 $0xFFFFFF80  }
0x3c: {  	_ =	swait.ge [sflag:s8], $0x80  }
0x3d: {  	[sflag:s8] =	ssyncset.done $0x0  }
0x3e: {  	[sflag:s8] =	ssyncadd.s32 $0xFFFFFF80  }
0x3f: {  	_ =	swait.ge [sflag:s8], $0x80  }
0x40: {  	[sflag:s8] =	ssyncset.done $0x0  }
0x41: {  	[sflag:s8] =	ssyncadd.s32 $0xFFFFFF80  }
0x42: {  	_ =	swait.ge [sflag:s8], $0x80  }
0x43: {  	[sflag:s8] =	ssyncset.done $0x0  }
0x44: {  	[sflag:s8] =	ssyncadd.s32 $0xFFFFFF80  }
0x45: {  	_ =	swait.ge [sflag:s8], $0x80  }
0x46: {  	[sflag:s8] =	ssyncset.done $0x0  }
0x47: {  	[sflag:s8] =	ssyncadd.s32 $0xFFFFFF80  }
0x48: {  	_ =	swait.ge [sflag:s8], $0x80  }
0x49: {  	[sflag:s8] =	ssyncset.done $0x0  }
0x4a: {  	[sflag:s8] =	ssyncadd.s32 $0xFFFFFF80  }
0x4b: {  	_ =	swait.ge [sflag:s8], $0x80  }
0x4c: {  	[sflag:s8] =	ssyncset.done $0x0  }
0x4d: {  	[sflag:s8] =	ssyncadd.s32 $0xFFFFFF80  }
0x4e: {  	_ =	swait.ge [sflag:s8], $0x80  }
0x4f: {  	[sflag:s8] =	ssyncset.done $0x0  }
0x50: {  	[sflag:s8] =	ssyncadd.s32 $0xFFFFFF80  }
0x51: {  	_ =	swait.ge [sflag:s8], $0x80  }
0x52: {  	[sflag:s8] =	ssyncset.done $0x0  }
0x53: {  	[sflag:s8] =	ssyncadd.s32 $0xFFFFFF80  }
0x54: {  	_ =	swait.ge [sflag:s8], $0x80  }
0x55: {  	[sflag:s8] =	ssyncset.done $0x0  }
0x56: {  	[sflag:s8] =	ssyncadd.s32 $0xFFFFFF80  }
0x57: {  	_ =	swait.ge [sflag:s8], $0x80  }
0x58: {  	[sflag:s8] =	ssyncset.done $0x0  }
0x59: {  	[sflag:s8] =	ssyncadd.s32 $0xFFFFFF80  }
0x5a: {  	_ =	swait.ge [sflag:s8], $0x80  }
0x5b: {  	[sflag:s8] =	ssyncset.done $0x0  }
0x5c: {  	[sflag:s8] =	ssyncadd.s32 $0xFFFFFF80  }
0x5d: {  	_ =	swait.ge [sflag:s8], $0x80  }
0x5e: {  	[sflag:s8] =	ssyncset.done $0x0  }
0x5f: {  	[sflag:s8] =	ssyncadd.s32 $0xFFFFFF80  }
0x60: {  	_ =	swait.ge [sflag:s8], $0x80  }
0x61: {  	[sflag:s8] =	ssyncset.done $0x0  }
0x62: {  	[sflag:s8] =	ssyncadd.s32 $0xFFFFFF80  }
0x63: {  	_ =	swait.ge [sflag:s8], $0x80  }
0x64: {  	[sflag:s8] =	ssyncset.done $0x0  }
0x65: {  	[sflag:s8] =	ssyncadd.s32 $0xFFFFFF80  }
0x66: {  	_ =	swait.ge [sflag:s8], $0x80  }
0x67: {  	[sflag:s8] =	ssyncset.done $0x0  }
0x68: {  	[sflag:s8] =	ssyncadd.s32 $0xFFFFFF80  }
0x69: {  	_ =	swait.ge [sflag:s8], $0x80  }
0x6a: {  	[sflag:s8] =	ssyncset.done $0x0  }
0x6b: {  	[sflag:s8] =	ssyncadd.s32 $0xFFFFFF80  }
0x6c: {  	_ =	swait.ge [sflag:s8], $0x80  }
0x6d: {  	[sflag:s8] =	ssyncset.done $0x0  }
0x6e: {  	[sflag:s8] =	ssyncadd.s32 $0xFFFFFF80  }
0x6f: {  	_ =	swait.ge [sflag:s8], $0x80  }
0x70: {  	[sflag:s8] =	ssyncset.done $0x0  }
0x71: {  	[sflag:s8] =	ssyncadd.s32 $0xFFFFFF80  }
0x72: {  	_ =	swait.ge [sflag:s8], $0x80  }
0x73: {  	[sflag:s8] =	ssyncset.done $0x0  }
0x74: {  	[sflag:s8] =	ssyncadd.s32 $0xFFFFFF80  }
0x75: {  	_ =	swait.ge [sflag:s8], $0x80  }
0x76: {  	[sflag:s8] =	ssyncset.done $0x0  }
0x77: {  	[sflag:s8] =	ssyncadd.s32 $0xFFFFFF80  }
0x78: {  	_ =	swait.ge [sflag:s8], $0x80  }
0x79: {  	[sflag:s8] =	ssyncset.done $0x0  }
0x7a: {  	[sflag:s8] =	ssyncadd.s32 $0xFFFFFF80  }
0x7b: {  	_ =	swait.ge [sflag:s8], $0x80  }
0x7c: {  	[sflag:s8] =	ssyncset.done $0x0  }
0x7d: {  	[sflag:s8] =	ssyncadd.s32 $0xFFFFFF80  }
0x7e: {  	_ =	swait.ge [sflag:s8], $0x80  }
0x7f: {  	[sflag:s8] =	ssyncset.done $0x0  }
0x80: {  	[sflag:s8] =	ssyncadd.s32 $0xFFFFFF80  }
0x81: {  	s10 =	sadd.s32 $0x1, s10;
	_ =	swait.ge [sflag:s8], $0x80  }
0x82: {  	p0 =	sne.s32 s10, s6;
	[sflag:s8] =	ssyncset.done $0x0  }
.Ltmp1:
0x83: {  	[sflag:s8] =	ssyncadd.s32 $0xFFFFFF80;
	(pc) =	sbr.rel @p0 .LBB2_1-.Ltmp1, $4  }
0x84: {  	[hbm4b:s5+s2] =	stream.linear.scatter [tilespmem:s9], [sflag:$0x2], $0x10000, $0x38;
	[tilespmem:$0x10200] =	vst v63  }
0x85: {  	_ =	swait.ge [sflag:s7], $0x10000  }
0x86: {  	[sflag:s7] =	ssyncset.done $0x0  }
0x87: {  	[sflag:s7] =	ssyncadd.s32 $0xFFFF0000  }
0x88: {  	_ =	sfence.sel $0x180000  }
0x89: {  	[bflag:$0x0] =	sbarrier.arrive $0xFFFF  }
0x8a: {  	p0 =	sne.s32 s1, $0x0;
	_ =	strace $0x90000047  }
0x8b: {  	s0 =	sadd.s32 @!p0 $0x100000, s0;
	[bflag:$0x2] =	sbarrier.arrive $0xFFFF  }
0x8c: {  	[sflag:s0] =	ssyncadd.tile.s32 @!p0 $0x1;
	_ =	shalt  }
.Lfunc_end2:
_tile_overlayer_lowered:
.L_overlay_start_2:
0x8d: {  	(tag) =	ssettag $0x2  }
0x8e: {  	s0 =	rddreg [dreg:$0x0];
	s2 =	stileid.u32  }
0x8f: {  	s1 =	rddreg [dreg:$0x1];
	p0 =	sne.s32 s2, $0x0  }
0x90: {  	s3 =	rddreg [dreg:$0x2];
	[bflag:$0x3] =	sbarrier.arrive $0xFFFF;
	s2 =	simm.s32 @!p0 $0x1C02  }
0x91: {  	[timem:s3], [sflag:s2] =	dma.local @!p0 [hbm:s0], s1  }
0x92: {  	s0 =	simm.s32 @!p0 $0x2  }
0x93: {  	_ =	swait.ge @!p0 [sflag:s0], s1  }
0x94: {  	s1 =	ssub.s32 @!p0 $0x0, s1;
	[sflag:s0] =	ssyncset.done @!p0 $0x0  }
0x95: {  	[sflag:s0] =	ssyncadd.s32 @!p0 s1  }
0x96: {  	[bflag:$0x3] =	sbarrier.arrive $0xFFFF  }
0x97: {  	_ =	shalt  }

</sc_bundles>
